<compile_context>
chip_gen: v7x
topology: tpu7x:2x2x1
jax: 0.10.2.dev20260603
libtpu: 0.0.44.dev20260713+nightly
codegen_flags: <defaults>
</compile_context>

<pallas_src>
import functools

import jax
import jax.numpy as jnp
from jax import lax
from jax.experimental import pallas as pl
from jax.experimental.pallas import tpu as pltpu
from jax.experimental.pallas import tpu_sc as plsc

_R, _N = 128, 8192
_NC, _NS = 2, 16
_NW = _NC * _NS
_ROWS_PER_W = _R // _NW
_LANES = 16


def _season_body(x_ref, season_ref):
    xv = x_ref[...]
    row0 = (jax.lax.broadcasted_iota(jnp.int32, xv.shape, 0) == 0) & (
        pl.program_id(0) == 0
    )
    season_ref[...] = jnp.where(row0, jnp.zeros((), xv.dtype), xv)


def _season_tc(x):
    n, m = x.shape
    blk = 64
    spec = pl.BlockSpec((blk, m), lambda i: (i, 0))
    return pl.pallas_call(
        _season_body,
        grid=(n // blk,),
        in_specs=[spec],
        out_specs=spec,
        out_shape=jax.ShapeDtypeStruct((n, m), x.dtype),
    )(x)


def _trend_body(x_hbm, out_hbm, zrow, xrow, sem):
    wid = lax.axis_index("s") * _NC + lax.axis_index("c")
    base = wid * _ROWS_PER_W
    zero16 = jnp.zeros((_LANES,), jnp.float32)

    def _zfill(i, carry):
        zrow[pl.ds(i * _LANES, _LANES)] = zero16
        return carry

    lax.fori_loop(0, _N // _LANES, _zfill, 0)

    copies = [
        pltpu.async_copy(zrow, out_hbm.at[base + j], sem)
        for j in range(_ROWS_PER_W)
    ]
    for c in copies:
        c.wait()

    @pl.when(wid == 0)
    def _():
        pltpu.sync_copy(x_hbm.at[0], xrow)
        pltpu.sync_copy(xrow, out_hbm.at[0])


_trend_sc = functools.partial(
    pl.kernel,
    mesh=plsc.VectorSubcoreMesh(core_axis_name="c", subcore_axis_name="s"),
    out_type=jax.ShapeDtypeStruct((_R, _N), jnp.float32),
    scratch_types=[
        pltpu.VMEM((_N,), jnp.float32),
        pltpu.VMEM((_N,), jnp.float32),
        pltpu.SemaphoreType.DMA,
    ],
)(_trend_body)


def kernel(x):
    season = _season_tc(x)
    trend = _trend_sc(x)
    return (season, trend)

# --- scband reference (transcript-rebuilt; emitter-appended) ---
"""Pipeline reference for scband-dft-series-decomp-2207613190585 (READ-ONLY COPY).

The authoritative reference and input builder live on the scoring server;
editing this copy changes nothing except your own understanding.
"""

import jax, jax.numpy as jnp
import numpy as np

TOP_K = 5


def setup_inputs(seed: int = 0) -> dict:
    key = jax.random.key(seed)
    x = jax.random.normal(key, (128, 8192), dtype=jnp.float32)
    return {"x": x}


def reference(x):
    # xf = torch.fft.rfft(x)  (rfft over last dim)
    xf = jnp.fft.rfft(x)
    freq = jnp.abs(xf)
    # freq[0] = 0  -> zero out the first slice along dim 0 (faithful to torch indexing)
    freq = freq.at[0].set(0.0)
    # top-k along the last dim
    top_k_freq, top_list = jax.lax.top_k(freq, TOP_K)
    # xf[freq <= top_k_freq.min()] = 0  (global min over all top-k values)
    thresh = jnp.min(top_k_freq)
    mask = freq <= thresh
    xf = jnp.where(mask, jnp.zeros((), dtype=xf.dtype), xf)
    x_season = jnp.fft.irfft(xf, n=x.shape[-1])
    x_trend = x - x_season
    return (x_season, x_trend)

if __name__ == "__main__":
    import jax
    _d = setup_inputs()
    print(jax.jit(kernel)(*tuple(_d.values())))

</pallas_src>

<mosaic_0001>
#map = affine_map<(d0, d1) -> (0, 0)>
module attributes {stable_mosaic.version = 14 : i64} {
  func.func @_trend_body(%arg0: i32, %arg1: i32, %arg2: memref<128x8192xf32, #tpu.memory_space<hbm>>, %arg3: memref<128x8192xf32, #tpu.memory_space<hbm>>, %arg4: memref<8192xf32, #tpu.memory_space<vmem>>, %arg5: memref<8192xf32, #tpu.memory_space<vmem>>, %arg6: memref<!tpu.dma_semaphore, #tpu.memory_space<semaphore_mem>>) attributes {dimension_semantics = [#tpu.dimension_semantics<core_parallel>, #tpu.dimension_semantics<subcore_parallel>], iteration_bounds = array<i64: 2, 16>, scalar_prefetch = 0 : i64, scratch_operands = 3 : i64, tpu.core_type = #tpu.core_type<sc_vector_subcore>, window_params = [{transform_indices = #map}, {transform_indices = #map}]} {
    %mul3A = arith.constant 2 : i32
    %mul3A_0 = arith.muli %arg1, %mul3A : i32
    %add3A = arith.addi %mul3A_0, %arg0 : i32
    %mul3A_1 = arith.constant 4 : i32
    %mul3A_2 = arith.muli %add3A, %mul3A_1 : i32
    %broadcast_in_dim3A = arith.constant 0.000000e+00 : f32
    %broadcast_in_dim3A_3 = vector.broadcast %broadcast_in_dim3A : f32 to vector<16xf32>
    %scan3A = arith.constant 0 : i32
    %scan3A_4 = arith.constant 0 : i32
    %scan3A_5 = arith.constant 512 : i32
    %scan3A_6 = arith.addi %scan3A_4, %scan3A_5 : i32
    %scan3A_7 = arith.constant 1 : i32
    scf.for %scan3A_65 = %scan3A_4 to %scan3A_6 step %scan3A_7  : i32 {
      %mul3A_66 = arith.constant 16 : i32
      %mul3A_67 = arith.muli %scan3A_65, %mul3A_66 : i32
      %swap3A = arith.index_cast %mul3A_67 : i32 to index
      %swap3A_68 = tpu.vector_load %arg4[%swap3A] {strides = array<i32>} : memref<8192xf32, #tpu.memory_space<vmem>>, vector<16xf32>,
      %swap3A_69 = vector.shape_cast %swap3A_68 : vector<16xf32> to vector<16xf32>
      %swap3A_70 = vector.shape_cast %broadcast_in_dim3A_3 : vector<16xf32> to vector<16xf32>
      tpu.vector_store %arg4[%swap3A], %swap3A_70 {strides = array<i32>} : memref<8192xf32, #tpu.memory_space<vmem>>, vector<16xf32>,
    }
    %scan3A_8 = arith.constant 512 : i32
    %add3A_9 = arith.constant 0 : i32
    %add3A_10 = arith.addi %mul3A_2, %add3A_9 : i32
    %dma_start3A = arith.constant 0 : i32
    %dma_start3A_11 = tpu.memref_slice %arg3[%add3A_10, %dma_start3A] : memref<128x8192xf32, #tpu.memory_space<hbm>> -> memref<1x8192xf32, #tpu.memory_space<hbm>>
    %dma_start3A_12 = tpu.memref_squeeze %dma_start3A_11 : memref<1x8192xf32, #tpu.memory_space<hbm>> -> memref<8192xf32, #tpu.memory_space<hbm>>
    %dma_start3A_13 = arith.constant 0 : i32
    %dma_start3A_14 = tpu.memref_slice %arg3[%add3A_10, %dma_start3A_13] : memref<128x8192xf32, #tpu.memory_space<hbm>> -> memref<1x8192xf32, #tpu.memory_space<hbm>>
    %dma_start3A_15 = tpu.memref_squeeze %dma_start3A_14 : memref<1x8192xf32, #tpu.memory_space<hbm>> -> memref<8192xf32, #tpu.memory_space<hbm>>
    tpu.enqueue_dma source(%arg4 : memref<8192xf32, #tpu.memory_space<vmem>>) target(%dma_start3A_15 : memref<8192xf32, #tpu.memory_space<hbm>>) target_semaphore(%arg6 : memref<!tpu.dma_semaphore, #tpu.memory_space<semaphore_mem>>)
    %add3A_16 = arith.constant 1 : i32
    %add3A_17 = arith.addi %mul3A_2, %add3A_16 : i32
    %dma_start3A_18 = arith.constant 0 : i32
    %dma_start3A_19 = tpu.memref_slice %arg3[%add3A_17, %dma_start3A_18] : memref<128x8192xf32, #tpu.memory_space<hbm>> -> memref<1x8192xf32, #tpu.memory_space<hbm>>
    %dma_start3A_20 = tpu.memref_squeeze %dma_start3A_19 : memref<1x8192xf32, #tpu.memory_space<hbm>> -> memref<8192xf32, #tpu.memory_space<hbm>>
    %dma_start3A_21 = arith.constant 0 : i32
    %dma_start3A_22 = tpu.memref_slice %arg3[%add3A_17, %dma_start3A_21] : memref<128x8192xf32, #tpu.memory_space<hbm>> -> memref<1x8192xf32, #tpu.memory_space<hbm>>
    %dma_start3A_23 = tpu.memref_squeeze %dma_start3A_22 : memref<1x8192xf32, #tpu.memory_space<hbm>> -> memref<8192xf32, #tpu.memory_space<hbm>>
    tpu.enqueue_dma source(%arg4 : memref<8192xf32, #tpu.memory_space<vmem>>) target(%dma_start3A_23 : memref<8192xf32, #tpu.memory_space<hbm>>) target_semaphore(%arg6 : memref<!tpu.dma_semaphore, #tpu.memory_space<semaphore_mem>>)
    %add3A_24 = arith.constant 2 : i32
    %add3A_25 = arith.addi %mul3A_2, %add3A_24 : i32
    %dma_start3A_26 = arith.constant 0 : i32
    %dma_start3A_27 = tpu.memref_slice %arg3[%add3A_25, %dma_start3A_26] : memref<128x8192xf32, #tpu.memory_space<hbm>> -> memref<1x8192xf32, #tpu.memory_space<hbm>>
    %dma_start3A_28 = tpu.memref_squeeze %dma_start3A_27 : memref<1x8192xf32, #tpu.memory_space<hbm>> -> memref<8192xf32, #tpu.memory_space<hbm>>
    %dma_start3A_29 = arith.constant 0 : i32
    %dma_start3A_30 = tpu.memref_slice %arg3[%add3A_25, %dma_start3A_29] : memref<128x8192xf32, #tpu.memory_space<hbm>> -> memref<1x8192xf32, #tpu.memory_space<hbm>>
    %dma_start3A_31 = tpu.memref_squeeze %dma_start3A_30 : memref<1x8192xf32, #tpu.memory_space<hbm>> -> memref<8192xf32, #tpu.memory_space<hbm>>
    tpu.enqueue_dma source(%arg4 : memref<8192xf32, #tpu.memory_space<vmem>>) target(%dma_start3A_31 : memref<8192xf32, #tpu.memory_space<hbm>>) target_semaphore(%arg6 : memref<!tpu.dma_semaphore, #tpu.memory_space<semaphore_mem>>)
    %add3A_32 = arith.constant 3 : i32
    %add3A_33 = arith.addi %mul3A_2, %add3A_32 : i32
    %dma_start3A_34 = arith.constant 0 : i32
    %dma_start3A_35 = tpu.memref_slice %arg3[%add3A_33, %dma_start3A_34] : memref<128x8192xf32, #tpu.memory_space<hbm>> -> memref<1x8192xf32, #tpu.memory_space<hbm>>
    %dma_start3A_36 = tpu.memref_squeeze %dma_start3A_35 : memref<1x8192xf32, #tpu.memory_space<hbm>> -> memref<8192xf32, #tpu.memory_space<hbm>>
    %dma_start3A_37 = arith.constant 0 : i32
    %dma_start3A_38 = tpu.memref_slice %arg3[%add3A_33, %dma_start3A_37] : memref<128x8192xf32, #tpu.memory_space<hbm>> -> memref<1x8192xf32, #tpu.memory_space<hbm>>
    %dma_start3A_39 = tpu.memref_squeeze %dma_start3A_38 : memref<1x8192xf32, #tpu.memory_space<hbm>> -> memref<8192xf32, #tpu.memory_space<hbm>>
    tpu.enqueue_dma source(%arg4 : memref<8192xf32, #tpu.memory_space<vmem>>) target(%dma_start3A_39 : memref<8192xf32, #tpu.memory_space<hbm>>) target_semaphore(%arg6 : memref<!tpu.dma_semaphore, #tpu.memory_space<semaphore_mem>>)
    %dma_wait3A = arith.constant 0 : i32
    %dma_wait3A_40 = tpu.memref_slice %arg3[%add3A_10, %dma_wait3A] : memref<128x8192xf32, #tpu.memory_space<hbm>> -> memref<1x8192xf32, #tpu.memory_space<hbm>>
    %dma_wait3A_41 = tpu.memref_squeeze %dma_wait3A_40 : memref<1x8192xf32, #tpu.memory_space<hbm>> -> memref<8192xf32, #tpu.memory_space<hbm>>
    %dma_wait3A_42 = arith.constant 0 : i32
    %dma_wait3A_43 = tpu.memref_slice %arg3[%add3A_10, %dma_wait3A_42] : memref<128x8192xf32, #tpu.memory_space<hbm>> -> memref<1x8192xf32, #tpu.memory_space<hbm>>
    %dma_wait3A_44 = tpu.memref_squeeze %dma_wait3A_43 : memref<1x8192xf32, #tpu.memory_space<hbm>> -> memref<8192xf32, #tpu.memory_space<hbm>>
    tpu.wait_dma2 semaphore(%arg6 : memref<!tpu.dma_semaphore, #tpu.memory_space<semaphore_mem>>) src(%arg4 : memref<8192xf32, #tpu.memory_space<vmem>>) dst(%dma_wait3A_44 : memref<8192xf32, #tpu.memory_space<hbm>>)
    %dma_wait3A_45 = arith.constant 0 : i32
    %dma_wait3A_46 = tpu.memref_slice %arg3[%add3A_17, %dma_wait3A_45] : memref<128x8192xf32, #tpu.memory_space<hbm>> -> memref<1x8192xf32, #tpu.memory_space<hbm>>
    %dma_wait3A_47 = tpu.memref_squeeze %dma_wait3A_46 : memref<1x8192xf32, #tpu.memory_space<hbm>> -> memref<8192xf32, #tpu.memory_space<hbm>>
    %dma_wait3A_48 = arith.constant 0 : i32
    %dma_wait3A_49 = tpu.memref_slice %arg3[%add3A_17, %dma_wait3A_48] : memref<128x8192xf32, #tpu.memory_space<hbm>> -> memref<1x8192xf32, #tpu.memory_space<hbm>>
    %dma_wait3A_50 = tpu.memref_squeeze %dma_wait3A_49 : memref<1x8192xf32, #tpu.memory_space<hbm>> -> memref<8192xf32, #tpu.memory_space<hbm>>
    tpu.wait_dma2 semaphore(%arg6 : memref<!tpu.dma_semaphore, #tpu.memory_space<semaphore_mem>>) src(%arg4 : memref<8192xf32, #tpu.memory_space<vmem>>) dst(%dma_wait3A_50 : memref<8192xf32, #tpu.memory_space<hbm>>)
    %dma_wait3A_51 = arith.constant 0 : i32
    %dma_wait3A_52 = tpu.memref_slice %arg3[%add3A_25, %dma_wait3A_51] : memref<128x8192xf32, #tpu.memory_space<hbm>> -> memref<1x8192xf32, #tpu.memory_space<hbm>>
    %dma_wait3A_53 = tpu.memref_squeeze %dma_wait3A_52 : memref<1x8192xf32, #tpu.memory_space<hbm>> -> memref<8192xf32, #tpu.memory_space<hbm>>
    %dma_wait3A_54 = arith.constant 0 : i32
    %dma_wait3A_55 = tpu.memref_slice %arg3[%add3A_25, %dma_wait3A_54] : memref<128x8192xf32, #tpu.memory_space<hbm>> -> memref<1x8192xf32, #tpu.memory_space<hbm>>
    %dma_wait3A_56 = tpu.memref_squeeze %dma_wait3A_55 : memref<1x8192xf32, #tpu.memory_space<hbm>> -> memref<8192xf32, #tpu.memory_space<hbm>>
    tpu.wait_dma2 semaphore(%arg6 : memref<!tpu.dma_semaphore, #tpu.memory_space<semaphore_mem>>) src(%arg4 : memref<8192xf32, #tpu.memory_space<vmem>>) dst(%dma_wait3A_56 : memref<8192xf32, #tpu.memory_space<hbm>>)
    %dma_wait3A_57 = arith.constant 0 : i32
    %dma_wait3A_58 = tpu.memref_slice %arg3[%add3A_33, %dma_wait3A_57] : memref<128x8192xf32, #tpu.memory_space<hbm>> -> memref<1x8192xf32, #tpu.memory_space<hbm>>
    %dma_wait3A_59 = tpu.memref_squeeze %dma_wait3A_58 : memref<1x8192xf32, #tpu.memory_space<hbm>> -> memref<8192xf32, #tpu.memory_space<hbm>>
    %dma_wait3A_60 = arith.constant 0 : i32
    %dma_wait3A_61 = tpu.memref_slice %arg3[%add3A_33, %dma_wait3A_60] : memref<128x8192xf32, #tpu.memory_space<hbm>> -> memref<1x8192xf32, #tpu.memory_space<hbm>>
    %dma_wait3A_62 = tpu.memref_squeeze %dma_wait3A_61 : memref<1x8192xf32, #tpu.memory_space<hbm>> -> memref<8192xf32, #tpu.memory_space<hbm>>
    tpu.wait_dma2 semaphore(%arg6 : memref<!tpu.dma_semaphore, #tpu.memory_space<semaphore_mem>>) src(%arg4 : memref<8192xf32, #tpu.memory_space<vmem>>) dst(%dma_wait3A_62 : memref<8192xf32, #tpu.memory_space<hbm>>)
    %eq3A = arith.constant 0 : i32
    %eq3A_63 = arith.cmpi eq, %add3A, %eq3A : i32
    %convert_element_type3A = arith.extui %eq3A_63 : i1 to i32
    %cond3A = arith.constant 0 : i32
    %cond3A_64 = arith.cmpi ne, %convert_element_type3A, %cond3A : i32
    scf.if %cond3A_64 {
      %run_scoped3A = arith.constant 0 : i32
      "tpu.region"() ({
        %run_scoped3A_66 = tpu.sem_alloc : memref<!tpu.dma_semaphore, #tpu.memory_space<semaphore_mem>>
        %dma_start3A_67 = arith.constant 0 : i32
        %dma_start3A_68 = tpu.memref_slice %arg2[%run_scoped3A, %dma_start3A_67] : memref<128x8192xf32, #tpu.memory_space<hbm>> -> memref<1x8192xf32, #tpu.memory_space<hbm>>
        %dma_start3A_69 = tpu.memref_squeeze %dma_start3A_68 : memref<1x8192xf32, #tpu.memory_space<hbm>> -> memref<8192xf32, #tpu.memory_space<hbm>>
        %dma_start3A_70 = arith.constant 0 : i32
        %dma_start3A_71 = tpu.memref_slice %arg2[%run_scoped3A, %dma_start3A_70] : memref<128x8192xf32, #tpu.memory_space<hbm>> -> memref<1x8192xf32, #tpu.memory_space<hbm>>
        %dma_start3A_72 = tpu.memref_squeeze %dma_start3A_71 : memref<1x8192xf32, #tpu.memory_space<hbm>> -> memref<8192xf32, #tpu.memory_space<hbm>>
        tpu.enqueue_dma source(%dma_start3A_72 : memref<8192xf32, #tpu.memory_space<hbm>>) target(%arg5 : memref<8192xf32, #tpu.memory_space<vmem>>) target_semaphore(%run_scoped3A_66 : memref<!tpu.dma_semaphore, #tpu.memory_space<semaphore_mem>>)
        %dma_wait3A_73 = arith.constant 0 : i32
        %dma_wait3A_74 = tpu.memref_slice %arg2[%run_scoped3A, %dma_wait3A_73] : memref<128x8192xf32, #tpu.memory_space<hbm>> -> memref<1x8192xf32, #tpu.memory_space<hbm>>
        %dma_wait3A_75 = tpu.memref_squeeze %dma_wait3A_74 : memref<1x8192xf32, #tpu.memory_space<hbm>> -> memref<8192xf32, #tpu.memory_space<hbm>>
        %dma_wait3A_76 = arith.constant 0 : i32
        %dma_wait3A_77 = tpu.memref_slice %arg2[%run_scoped3A, %dma_wait3A_76] : memref<128x8192xf32, #tpu.memory_space<hbm>> -> memref<1x8192xf32, #tpu.memory_space<hbm>>
        %dma_wait3A_78 = tpu.memref_squeeze %dma_wait3A_77 : memref<1x8192xf32, #tpu.memory_space<hbm>> -> memref<8192xf32, #tpu.memory_space<hbm>>
        tpu.wait_dma2 semaphore(%run_scoped3A_66 : memref<!tpu.dma_semaphore, #tpu.memory_space<semaphore_mem>>) src(%dma_wait3A_78 : memref<8192xf32, #tpu.memory_space<hbm>>) dst(%arg5 : memref<8192xf32, #tpu.memory_space<vmem>>)
        tpu.yield
      }) : () -> ()
      %run_scoped3A_65 = arith.constant 0 : i32
      "tpu.region"() ({
        %run_scoped3A_66 = tpu.sem_alloc : memref<!tpu.dma_semaphore, #tpu.memory_space<semaphore_mem>>
        %dma_start3A_67 = arith.constant 0 : i32
        %dma_start3A_68 = tpu.memref_slice %arg3[%run_scoped3A_65, %dma_start3A_67] : memref<128x8192xf32, #tpu.memory_space<hbm>> -> memref<1x8192xf32, #tpu.memory_space<hbm>>
        %dma_start3A_69 = tpu.memref_squeeze %dma_start3A_68 : memref<1x8192xf32, #tpu.memory_space<hbm>> -> memref<8192xf32, #tpu.memory_space<hbm>>
        %dma_start3A_70 = arith.constant 0 : i32
        %dma_start3A_71 = tpu.memref_slice %arg3[%run_scoped3A_65, %dma_start3A_70] : memref<128x8192xf32, #tpu.memory_space<hbm>> -> memref<1x8192xf32, #tpu.memory_space<hbm>>
        %dma_start3A_72 = tpu.memref_squeeze %dma_start3A_71 : memref<1x8192xf32, #tpu.memory_space<hbm>> -> memref<8192xf32, #tpu.memory_space<hbm>>
        tpu.enqueue_dma source(%arg5 : memref<8192xf32, #tpu.memory_space<vmem>>) target(%dma_start3A_72 : memref<8192xf32, #tpu.memory_space<hbm>>) target_semaphore(%run_scoped3A_66 : memref<!tpu.dma_semaphore, #tpu.memory_space<semaphore_mem>>)
        %dma_wait3A_73 = arith.constant 0 : i32
        %dma_wait3A_74 = tpu.memref_slice %arg3[%run_scoped3A_65, %dma_wait3A_73] : memref<128x8192xf32, #tpu.memory_space<hbm>> -> memref<1x8192xf32, #tpu.memory_space<hbm>>
        %dma_wait3A_75 = tpu.memref_squeeze %dma_wait3A_74 : memref<1x8192xf32, #tpu.memory_space<hbm>> -> memref<8192xf32, #tpu.memory_space<hbm>>
        %dma_wait3A_76 = arith.constant 0 : i32
        %dma_wait3A_77 = tpu.memref_slice %arg3[%run_scoped3A_65, %dma_wait3A_76] : memref<128x8192xf32, #tpu.memory_space<hbm>> -> memref<1x8192xf32, #tpu.memory_space<hbm>>
        %dma_wait3A_78 = tpu.memref_squeeze %dma_wait3A_77 : memref<1x8192xf32, #tpu.memory_space<hbm>> -> memref<8192xf32, #tpu.memory_space<hbm>>
        tpu.wait_dma2 semaphore(%run_scoped3A_66 : memref<!tpu.dma_semaphore, #tpu.memory_space<semaphore_mem>>) src(%arg5 : memref<8192xf32, #tpu.memory_space<vmem>>) dst(%dma_wait3A_78 : memref<8192xf32, #tpu.memory_space<hbm>>)
        tpu.yield
      }) : () -> ()
    } else {
    }
    return
  }
}

module attributes {stable_mosaic.version = 14 : i64} {
  func.func @_season_body(%arg0: i32, %arg1: memref<64x8192xf32, #tpu.memory_space<vmem>>, %arg2: memref<64x8192xf32, #tpu.memory_space<vmem>>) attributes {dimension_semantics = [#tpu.dimension_semantics<arbitrary>], iteration_bounds = array<i64: 2>, scalar_prefetch = 0 : i64, scratch_operands = 0 : i64, tpu.core_type = #tpu.core_type<tc>, window_params = [{transform_indices = @transform_0, window_bounds = array<i64: 64, 8192>}, {transform_indices = @transform_1, window_bounds = array<i64: 64, 8192>}]} {
    %get3A = arith.constant 0 : index
    %get3A_0 = arith.constant 0 : index
    %get3A_1 = vector.load %arg1[%get3A, %get3A_0] : memref<64x8192xf32, #tpu.memory_space<vmem>>, vector<64x8192xf32>
    %iota3A = tpu.iota {dimensions = array<i32: 0>} : vector<64x8192xi32>
    %eq3A = arith.constant 0 : i32
    %eq3A_2 = vector.broadcast %eq3A : i32 to vector<64x8192xi32>
    %eq3A_3 = arith.cmpi eq, %iota3A, %eq3A_2 : vector<64x8192xi32>
    %eq3A_4 = arith.constant 0 : i32
    %eq3A_5 = arith.cmpi eq, %arg0, %eq3A_4 : i32
    %and3A = vector.broadcast %eq3A_5 : i1 to vector<64x8192xi1>
    %and3A_6 = arith.andi %eq3A_3, %and3A : vector<64x8192xi1>
    %jit3A = arith.constant 0.000000e+00 : f32
    %broadcast_in_dim3A = vector.broadcast %jit3A : f32 to vector<64x8192xf32>
    %select_n3A = arith.select %and3A_6, %broadcast_in_dim3A, %get3A_1 : vector<64x8192xi1>, vector<64x8192xf32>
    %swap3A = arith.constant 0 : index
    %swap3A_7 = arith.constant 0 : index
    %swap3A_8 = vector.load %arg2[%swap3A, %swap3A_7] : memref<64x8192xf32, #tpu.memory_space<vmem>>, vector<64x8192xf32>
    tpu.vector_store %arg2[%swap3A, %swap3A_7], %select_n3A {strides = array<i32>} : memref<64x8192xf32, #tpu.memory_space<vmem>>, vector<64x8192xf32>,
    return
  }
  func.func @transform_0(%arg0: i32) -> (i32, i32) {
    %c0_i32 = arith.constant 0 : i32
    %c0_i32_0 = arith.constant 0 : i32
    return %arg0, %c0_i32 : i32, i32
  }
  func.func @transform_1(%arg0: i32) -> (i32, i32) {
    %c0_i32 = arith.constant 0 : i32
    %c0_i32_0 = arith.constant 0 : i32
    return %arg0, %c0_i32 : i32, i32
  }
}

</mosaic_0001>

<sc_bundles>
// kernel: kernel.4.cloned.1.call-start
scs
__scs_entry_jumppad:
0x0: {  	(pc) =	sbr.rel $0x88, $3  }
0x1: {  	(tag) =	ssettag $0x0;
	lr =	simm.s32 $0x1  }
0x2: {  	[smem:$0x3FA0] =	sst lr;
	_ =	strace $0xD0000000  }
0x3: {  	_ = 	snop  }
0x4: {  	_ = 	snop  }
0x5: {  	_ = 	snop  }
0x6: {  	_ = 	snop  }
0x7: {  	_ = 	snop  }
__scs_overlays_trampoline_lowered:
0x8: {  	[smem:$0x3FAF] =	sst s0  }
0x9: {  	[smem:$0x3FB0] =	sst s1  }
0xa: {  	[smem:$0x3FB1] =	sst s2  }
0xb: {  	[smem:$0x3FB2] =	sst s3  }
0xc: {  	[smem:$0x3FB3] =	sst s4  }
0xd: {  	[smem:$0x3FB4] =	sst s5  }
0xe: {  	[smem:$0x3FB5] =	sst s6  }
0xf: {  	[smem:$0x3FB6] =	sst s7  }
0x10: {  	[smem:$0x3FB7] =	sst s8  }
0x11: {  	[smem:$0x3FB8] =	sst s9;
	s0 =	simm.s32 @!p0 $0x0  }
0x12: {  	s1 =	sld [smem:$0x3F9E];
	s0 =	simm.s32 @p0 $0x1  }
0x13: {  	[smem:$0x3FB9] =	sst s0;
	s0 =	simm.s32 @!p1 $0x0  }
0x14: {  	s2 =	sld [smem:$0x3F9D];
	s0 =	simm.s32 @p1 $0x1  }
0x15: {  	[smem:$0x3FBA] =	sst s0;
	s0 =	simm.s32 @!p2 $0x0  }
0x16: {  	s3 =	sld [smem:$0x3FDB];
	s0 =	simm.s32 @p2 $0x1  }
0x17: {  	s4 =	simm.s32 $0x1BF5;
	[smem:$0x3FBC] =	sst s0  }
0x18: {  	s0 =	sld [smem:$0x3F9F];
	_ =	swait.ge [sflag:s4], $0x0  }
0x19: {  	s7 =	sld [smem:$0x3FA0]  }
0x1a: {  	s8 =	sadd.s32 $0xFFFFE003, lr  }
0x1b: {  	s9 =	sadd.s32 $0xFFFFFEF7, lr;
	s5 =	simm.s32 $0xFFFFFFFF;
	p2 =	slt.u32 s8, $0xFFFFF086  }
0x1c: {  	p1 =	slt.u32 s9, $0xF7A;
	s5 =	simm.s32 @!p2 $0x0  }
0x1d: {  	s5 =	simm.s32 @p1 $0x1;
	p0 =	seq.s32 s7, s2  }
0x1e: {  	s7 =	smul.u32 @!p0 $0xF7A, s2;
	p2 =	seq.s32 @!p0 s5, $0x0  }
0x1f: {  	s9 =	smul.u32 $0xF7A, s1;
	s8 =	simm.s32 @!p0 $0x1BF5;
	p2 =	por !p2, p0  }
0x20: {  	[sflag:s8] =	ssyncset.s32 @!p0 $0xFFFFF086;
	s6 =	sadd.s32 @!p0 s3, s7;
	s7 =	simm.s32 @!p0 $0x108  }
0x21: {  	s3 =	sadd.s32 s3, s9;
	s6 =	sadd.s32 @!p0 $0x88, s6;
	s7 =	simm.s32 @p2 $0x1082  }
0x22: {  	[simem:s7], [sflag:s8] =	dma.local @!p0 [hbm:s6], $0xF7A  }
0x23: {  	s9 =	sor.u32 $0xD0000000, s2;
	s6 =	simm.s32 $0x108;
	_ =	swait.ge @!p0 [sflag:s8], $0x0  }
0x24: {  	s3 =	sadd.s32 $0x88, s3;
	s6 =	simm.s32 @!p1 $0x1082;
	[sflag:s4] =	ssyncset.s32 $0xFFFFF086  }
0x25: {  	[simem:s6], [sflag:s4] =	dma.local [hbm:s3], $0xF7A  }
0x26: {  	[smem:$0x3FA0] =	sst s1;
	(tag) =	ssettag s2;
	_ =	strace s9  }
0x27: {  	s1 =	sld [smem:$0x3FB0]  }
0x28: {  	s2 =	sld [smem:$0x3FB1]  }
0x29: {  	s4 =	sld [smem:$0x3FB3]  }
0x2a: {  	p0 =	seq.s32 s5, $0x0;
	s5 =	sld [smem:$0x3FB4]  }
0x2b: {  	s6 =	sld [smem:$0x3FB5]  }
0x2c: {  	s7 =	sld [smem:$0x3FB6]  }
0x2d: {  	s3 =	simm.s32 $0x108;
	s8 =	sld [smem:$0x3FB7]  }
0x2e: {  	s3 =	simm.s32 @!p0 $0x1082;
	s9 =	sld [smem:$0x3FB8]  }
0x2f: {  	lr =	sadd.s32 s0, s3;
	s0 =	sld [smem:$0x3FAF]  }
0x30: {  	s3 =	sld [smem:$0x3FB2]  }
0x31: {  	[smem:$0x3FBB] =	sst s10  }
0x32: {  	s10 =	sld [smem:$0x3FB9];
	_ =	sdelay $0x3  }
0x33: {  	p0 =	seq.s32 s10, $0x1;
	s10 =	sld [smem:$0x3FBB];
	_ =	sdelay $0x3  }
0x34: {  	[smem:$0x3FBB] =	sst s10  }
0x35: {  	s10 =	sld [smem:$0x3FBA];
	_ =	sdelay $0x3  }
0x36: {  	p1 =	seq.s32 s10, $0x1;
	s10 =	sld [smem:$0x3FBB];
	_ =	sdelay $0x3  }
0x37: {  	[smem:$0x3FBB] =	sst s10  }
0x38: {  	s10 =	sld [smem:$0x3FBC]  }
0x39: {  	_ = 	snop;
	(pc) =	sbr.ind lr, $3  }
0x3a: {  	_ = 	snop  }
0x3b: {  	_ = 	snop  }
0x3c: {  	p2 =	seq.s32 s10, $0x1;
	s10 =	sld [smem:$0x3FBB]  }
0x3d: {  	_ =	shalt  }
0x3e: {  	_ =	shalt  }
0x3f: {  	_ =	shalt  }
0x40: {  	_ =	shalt  }
0x41: {  	_ =	shalt  }
0x42: {  	_ =	shalt  }
0x43: {  	_ =	shalt  }
0x44: {  	_ =	shalt  }
0x45: {  	_ =	shalt  }
0x46: {  	_ =	shalt  }
0x47: {  	_ =	shalt  }
0x48: {  	_ =	shalt  }
0x49: {  	_ =	shalt  }
0x4a: {  	_ =	shalt  }
0x4b: {  	_ =	shalt  }
0x4c: {  	_ =	shalt  }
0x4d: {  	_ =	shalt  }
0x4e: {  	_ =	shalt  }
0x4f: {  	_ =	shalt  }
0x50: {  	_ =	shalt  }
0x51: {  	_ =	shalt  }
0x52: {  	_ =	shalt  }
0x53: {  	_ =	shalt  }
0x54: {  	_ =	shalt  }
0x55: {  	_ =	shalt  }
0x56: {  	_ =	shalt  }
0x57: {  	_ =	shalt  }
0x58: {  	_ =	shalt  }
0x59: {  	_ =	shalt  }
0x5a: {  	_ =	shalt  }
0x5b: {  	_ =	shalt  }
0x5c: {  	_ =	shalt  }
0x5d: {  	_ =	shalt  }
0x5e: {  	_ =	shalt  }
0x5f: {  	_ =	shalt  }
0x60: {  	_ =	shalt  }
0x61: {  	_ =	shalt  }
0x62: {  	_ =	shalt  }
0x63: {  	_ =	shalt  }
0x64: {  	_ =	shalt  }
0x65: {  	_ =	shalt  }
0x66: {  	_ =	shalt  }
0x67: {  	_ =	shalt  }
0x68: {  	_ =	shalt  }
0x69: {  	_ =	shalt  }
0x6a: {  	_ =	shalt  }
0x6b: {  	_ =	shalt  }
0x6c: {  	_ =	shalt  }
0x6d: {  	_ =	shalt  }
0x6e: {  	_ =	shalt  }
0x6f: {  	_ =	shalt  }
0x70: {  	_ =	shalt  }
0x71: {  	_ =	shalt  }
0x72: {  	_ =	shalt  }
0x73: {  	_ =	shalt  }
0x74: {  	_ =	shalt  }
0x75: {  	_ =	shalt  }
0x76: {  	_ =	shalt  }
0x77: {  	_ =	shalt  }
0x78: {  	_ =	shalt  }
0x79: {  	_ =	shalt  }
0x7a: {  	_ =	shalt  }
0x7b: {  	_ =	shalt  }
0x7c: {  	_ =	shalt  }
0x7d: {  	_ =	shalt  }
0x7e: {  	_ =	shalt  }
0x7f: {  	_ =	shalt  }
0x80: {  	_ =	shalt  }
0x81: {  	_ =	shalt  }
0x82: {  	_ =	shalt  }
0x83: {  	_ =	shalt  }
0x84: {  	_ =	shalt  }
0x85: {  	_ =	shalt  }
0x86: {  	_ =	shalt  }
0x87: {  	_ =	shalt  }
.Lfunc_end0:
.L_simem_size_0:
called_computation_lowered:
.L_overlay_start_0:
0x88: {  	s2 =	sld [smem:$0x3FD9]  }
0x89: {  	s3 =	sld [smem:$0x3FFE];
	_ =	sdelay $0x1  }
0x8a: {  	s1 =	srdreg.scid  }
0x8b: {  	s0 =	sand.u32 $0x1, s1  }
0x8c: {  	s15 =	sshll.u32 s0, $0xA;
	s2 =	sadd.s32 s3, s2  }
0x8d: {  	s2 =	sadd.s32 s2, s15  }
0x8e: {  	[smem:$0x3FC7] =	sst s2  }
0x8f: {  	_ = 	snop  }
0x90: {  	s2 =	sld [smem:$0x3FD0];
	_ =	sdelay $0x2  }
0x91: {  	s4 =	simm.s32 $0xA;
	s5 =	simm.s32 $0x10;
	s16 =	sld [smem:$0x3FC9]  }
0x92: {  	[smem:s5], [sflag:s4] =	dma.local [hbm:s2], $0x1  }
0x93: {  	_ =	swait.eq [sflag:s4], $0x1  }
0x94: {  	[sflag:s4] =	ssyncset.done $0x0  }
0x95: {  	[sflag:s4] =	ssyncadd.s32 $0xFFFFFFFF  }
0x96: {  	s17 =	sld [smem:$0x11];
	(tm) =	ssettm $0x1  }
0x97: {  	s18 =	sld [smem:$0x3FFB];
	_ =	sdelay $0x3  }
0x98: {  	_ =	strace s18  }
0x99: {  	s4 =	sld [smem:$0x3FFC];
	_ =	sdelay $0x3  }
0x9a: {  	_ =	strace s4  }
0x9b: {  	s4 =	sld [smem:$0x3FFD];
	_ =	sdelay $0x3  }
0x9c: {  	_ =	strace s4  }
0x9d: {  	_ =	strace $0x8FFFFFFF  }
0x9e: {  	s19 =	sld [smem:$0x3FDB];
	_ =	sdelay $0x1  }
0x9f: {  	s20 =	simm.s32 $_scs_section_size  }
0xa0: {  	s6 =	simm.s32 $_size__tile_overlayer_lowered;
	s7 =	simm.s32 $_tile_overlayer_lowered  }
0xa1: {  	s23 =	simm.s32 $0x1BFF;
	s22 =	sshll.u32 s7, $0x1;
	s4 =	sadd.s32 s20, s19  }
0xa2: {  	s8 =	simm.s32 $0x0;
	s21 =	sshll.u32 s6, $0x1;
	s6 =	sadd.s32 s22, s4  }
0xa3: {  	[timem:s8], [sflag:s23] =	dma.local [hbm:s6], s21  }
0xa4: {  	_ =	swait.ge [sflag:s23], s21  }
0xa5: {  	s5 =	ssub.s32 $0x0, s21;
	[sflag:s23] =	ssyncset.done $0x0  }
0xa6: {  	[sflag:s23] =	ssyncadd.s32 s5;
	_ =	sdelay $0x1  }
0xa7: {  	s24 =	simm.s32 $0x1B8B  }
0xa8: {  	_ =	swait.ge [sflag:s24], $0x1  }
0xa9: {  	[sflag:s24] =	ssyncset.done $0x0  }
0xaa: {  	s25 =	simm.s32 $0x1B8E;
	[sflag:s24] =	ssyncadd.s32 $0xFFFFFFFF  }
0xab: {  	s26 =	simm.s32 $execute0_lowered;
	[smem:$0x3FD2] =	sst s25  }
0xac: {  	s5 =	sshll.u32 s26, $0x1;
	_ =	strace $0x80000046;
	[dreg:$0x1] =	wrdreg $0xFFFFFFFF  }
0xad: {  	s28 =	simm.s32 $_size_execute0_lowered;
	s4 =	sadd.s32 s4, s5;
	[dreg:$0x0] =	wrdreg $0x0  }
0xae: {  	s5 =	sshll.u32 s28, $0x1;
	[dreg:$0x2] =	wrdreg s4  }
0xaf: {  	[dreg:$0x3] =	wrdreg s5  }
0xb0: {  	[dreg:$0x4] =	wrdreg $0xC0  }
0xb1: {  	_ =	task [dreg:s8], $0x5FFFF  }
0xb2: {  	[dreg:$0x1] =	wrdreg $0xFFFFFFFF  }
0xb3: {  	[dreg:$0x0] =	wrdreg $0x60  }
0xb4: {  	[dreg:$0x2] =	wrdreg s16  }
0xb5: {  	[dreg:$0x3] =	wrdreg s17  }
0xb6: {  	[dreg:$0x4] =	wrdreg $0x9  }
0xb7: {  	_ =	task.clear_ibuf [dreg:s8], $0x5FFFF;
	_ =	strace $0x90000046  }
0xb8: {  	s29 =	simm.s32 $0x9;
	_ =	strace $0x80000048  }
0xb9: {  	_ =	swait.ge [sflag:s29], $0x1  }
0xba: {  	[sflag:s29] =	ssyncadd.s32 $0xFFFFFFFF  }
0xbb: {  	_ =	strace $0x90000048  }
0xbc: {  	_ =	sfence  }
0xbd: {  	s30 =	sld [smem:$0x0];
	_ =	sdelay $0x2  }
0xbe: {  	s31 =	sshll.u32 s1, $0xD;
	s1 =	sshrl.u32 s1, $0x2  }
0xbf: {  	s3 =	sand.u32 $0x4000, s31;
	s1 =	sadd.s32 s1, s30  }
0xc0: {  	s0 =	sor.u32 s3, s0;
	s1 =	sshll.u32 s1, $0x11  }
0xc1: {  	s0 =	sor.u32 s1, s0  }
0xc2: {  	s0 =	sadd.s32 $0x8F2B, s0  }
0xc3: {  	[sflag:s0] =	ssyncadd.remote.s32 $0x1  }
0xc4: {  	_ =	sfence.sel $0xFFFF  }
0xc5: {  	[dreg:$0x0] =	wrdreg $0xFFFFFFFF;
	(pc) =	sbr.abs _section_cstart, $3  }
0xc6: {  	[dreg:$0x1] =	wrdreg $0xFFFFFFFF  }
0xc7: {  	_ =	task.clear_ibuf [dreg:s8], $0x2FFFF;
	_ =	strace $0x9FFFFFFF  }
0xc8: {  	(tm) =	ssettm $0x7FFFFFFF  }
0xc9: {  	_ =	shalt  }
tec
execute0_lowered:
.L_overlay_start_1:
0x0: {  	(tag) =	ssettag $0x1  }
0x1: {  	s2 =	rddreg [dreg:$0x0];
	s0 =	srdreg.scid  }
0x2: {  	s3 =	rddreg [dreg:$0x1];
	s1 =	stileid.u32;
	s4 =	simm.s32 $0x0  }
0x3: {  	s12 =	simm.s32 $0x1;
	s9 =	sand.u32 $0x1, s0;
	s0 =	rddreg [dreg:$0x2]  }
0x4: {  	s13 =	simm.s32 $0x0;
	s6 =	sshll.u32 s1, $0xD;
	[smem:$0x7FF] =	sst s4  }
0x5: {  	s5 =	sshll.u32 s9, $0x6;
	s7 =	ssub.s32 $0x2, s9;
	_ =	strace $0x80000047  }
0x6: {  	s11 =	sor.u32 s9, s1;
	s5 =	sor.u32 s5, s6;
	s31 =	sshrl.u32 s7, $0x1  }
0x7: {  	p0 =	sne.s32 s11, $0x0;
	s11 =	simm.s32 $0x400;
	s5 =	sadd.s32 s3, s5  }
0x8: {  	s10 =	ssub.s32 s7, s31;
	s6 =	sadd.s32 $0x10, s5;
	s7 =	sadd.s32 $0x20, s5  }
0x9: {  	v0 =	vimm.f32 $0.0e+00;
	s8 =	sadd.s32 $0x30, s5;
	s9 =	smax.u32 s10, $0x1;
	s10 =	simm.s32 $0x80  }
.LBB2_1:
0xa: {  	s14 =	simm.s32 $0x40;
	s15 =	simm.s32 $0x0  }
.LBB2_2:
0xb: {  	p1 =	sne.s32 s14, $0x7FC0;
	[tilespmem:s15+$0x0] =	vst v0;
	s15 =	smov.u32 s14;
	s14 =	sadd.s32 $0x40, s14  }
.Ltmp0:
0xc: {  	(pc) =	sbr.rel @p1 .LBB2_2-.Ltmp0, $2  }
0xd: {  	_ =	sdelay $0x2  }
0xe: {  	s15 =	sshra.s32 s15, $0x2  }
0xf: {  	[tilespmem:s15+$0x0] =	vst v0  }
0x10: {  	[hbm4b:s5+s10] =	stream.strided.scatter [tilespmem:s4], [sflag:$0x1], $0x2000, s11, s10, $0x38;
	[tilespmem:$0x4000] =	vst v63  }
0x11: {  	_ = 	snop  }
0x12: {  	[hbm4b:s6+s10] =	stream.strided.scatter [tilespmem:s4], [sflag:$0x1], $0x2000, s11, s10, $0x38;
	[tilespmem:$0x4000] =	vst v63  }
0x13: {  	_ = 	snop  }
0x14: {  	[hbm4b:s7+s10] =	stream.strided.scatter [tilespmem:s4], [sflag:$0x1], $0x2000, s11, s10, $0x38;
	[tilespmem:$0x4000] =	vst v63  }
0x15: {  	_ = 	snop  }
0x16: {  	[hbm4b:s8+s10] =	stream.strided.scatter [tilespmem:s4], [sflag:$0x1], $0x2000, s11, s10, $0x38;
	[tilespmem:$0x4000] =	vst v63  }
0x17: {  	_ =	swait.ge [sflag:s12], $0x2000  }
0x18: {  	[sflag:s12] =	ssyncset.done $0x0  }
0x19: {  	[sflag:s12] =	ssyncadd.s32 $0xFFFFE000  }
0x1a: {  	_ =	swait.ge [sflag:s12], $0x2000  }
0x1b: {  	[sflag:s12] =	ssyncset.done $0x0  }
0x1c: {  	[sflag:s12] =	ssyncadd.s32 $0xFFFFE000  }
0x1d: {  	_ =	swait.ge [sflag:s12], $0x2000  }
0x1e: {  	[sflag:s12] =	ssyncset.done $0x0  }
0x1f: {  	[sflag:s12] =	ssyncadd.s32 $0xFFFFE000  }
0x20: {  	_ =	swait.ge [sflag:s12], $0x2000  }
0x21: {  	s14 =	simm.s32 @!p0 $0x80;
	s15 =	simm.s32 @!p0 $0x400;
	[sflag:s12] =	ssyncset.done $0x0  }
0x22: {  	s16 =	simm.s32 @!p0 $0x2000;
	s17 =	simm.s32 @!p0 $0x2;
	[sflag:s12] =	ssyncadd.s32 $0xFFFFE000  }
0x23: {  	[tilespmem:s16], [sflag:$0x2] =	stream.strided.gather @!p0 [hbm4b:s2+s14], $0x2000, s15, s14, $0x38;
	[tilespmem:$0x4000] =	vst v63  }
0x24: {  	s13 =	sadd.s32 $0x1, s13;
	_ =	swait.ge @!p0 [sflag:s17], $0x2000  }
0x25: {  	p1 =	sne.s32 s13, s9;
	[sflag:s17] =	ssyncset.done @!p0 $0x0  }
.Ltmp1:
0x26: {  	[sflag:s17] =	ssyncadd.s32 @!p0 $0xFFFFE000;
	(pc) =	sbr.rel @p1 .LBB2_1-.Ltmp1, $4  }
0x27: {  	[hbm4b:s3+s14] =	stream.strided.scatter @!p0 [tilespmem:s16], [sflag:$0x2], $0x2000, s15, s14, $0x38;
	[tilespmem:$0x4000] =	vst v63  }
0x28: {  	_ =	swait.ge @!p0 [sflag:s17], $0x2000  }
0x29: {  	[sflag:s17] =	ssyncset.done @!p0 $0x0  }
0x2a: {  	[sflag:s17] =	ssyncadd.s32 @!p0 $0xFFFFE000  }
0x2b: {  	_ =	sfence.sel $0x180000  }
0x2c: {  	[bflag:$0x0] =	sbarrier.arrive $0xFFFF  }
0x2d: {  	p0 =	sne.s32 s1, $0x0;
	_ =	strace $0x90000047  }
0x2e: {  	s0 =	sadd.s32 @!p0 $0x100000, s0;
	[bflag:$0x2] =	sbarrier.arrive $0xFFFF  }
0x2f: {  	[sflag:s0] =	ssyncadd.tile.s32 @!p0 $0x1;
	_ =	shalt  }
.Lfunc_end2:
_tile_overlayer_lowered:
.L_overlay_start_2:
0x30: {  	(tag) =	ssettag $0x2  }
0x31: {  	s0 =	rddreg [dreg:$0x0];
	s2 =	stileid.u32  }
0x32: {  	s1 =	rddreg [dreg:$0x1];
	p0 =	sne.s32 s2, $0x0  }
0x33: {  	s3 =	rddreg [dreg:$0x2];
	[bflag:$0x3] =	sbarrier.arrive $0xFFFF;
	s2 =	simm.s32 @!p0 $0x1C02  }
0x34: {  	[timem:s3], [sflag:s2] =	dma.local @!p0 [hbm:s0], s1  }
0x35: {  	s0 =	simm.s32 @!p0 $0x2  }
0x36: {  	_ =	swait.ge @!p0 [sflag:s0], s1  }
0x37: {  	s1 =	ssub.s32 @!p0 $0x0, s1;
	[sflag:s0] =	ssyncset.done @!p0 $0x0  }
0x38: {  	[sflag:s0] =	ssyncadd.s32 @!p0 s1  }
0x39: {  	[bflag:$0x3] =	sbarrier.arrive $0xFFFF  }
0x3a: {  	_ =	shalt  }

</sc_bundles>
